<compile_context>
chip_gen: v7x
topology: tpu7x:2x2x1
jax: 0.10.2.dev20260603
libtpu: 0.0.44.dev20260713+nightly
codegen_flags: <defaults>
</compile_context>

<pallas_src>
import functools

import jax
import jax.numpy as jnp
from jax import lax
from jax.experimental import pallas as pl
from jax.experimental.pallas import tpu as pltpu
from jax.experimental.pallas import tpu_sc as plsc

_H, _W = 320, 800
_THR = 0.1
_NW = 32
_RPW = _H // _NW
_CW = _RPW * _W
_OW = _CW * 5
_NCHUNK = _CW // 16

_mesh = plsc.VectorSubcoreMesh(core_axis_name="c", subcore_axis_name="s")


@functools.partial(
    pl.kernel,
    out_type=jax.ShapeDtypeStruct((_H * _W * 5,), jnp.float32),
    mesh=_mesh,
    compiler_params=pltpu.CompilerParams(
        needs_layout_passes=False, skip_device_barrier=True
    ),
    scratch_types=[
        pltpu.VMEM((_CW + 32,), jnp.float32),
        pltpu.VMEM((_CW,), jnp.float32),
        pltpu.VMEM((_CW,), jnp.float32),
        pltpu.VMEM((_CW,), jnp.float32),
        pltpu.VMEM((_CW,), jnp.float32),
        pltpu.VMEM((_OW,), jnp.float32),
    ],
)
def _decode(heat_hbm, offx_hbm, offy_hbm, errx_hbm, erry_hbm, out_hbm,
            hbuf, oxbuf, oybuf, exbuf, eybuf, obuf):
    cid = lax.axis_index("c")
    sid = lax.axis_index("s")
    wid = cid * 16 + sid
    base = wid * _CW

    pltpu.sync_copy(heat_hbm.at[pl.ds(base, _CW)], hbuf.at[pl.ds(16, _CW)])
    pltpu.sync_copy(offx_hbm.at[pl.ds(base, _CW)], oxbuf)
    pltpu.sync_copy(offy_hbm.at[pl.ds(base, _CW)], oybuf)
    pltpu.sync_copy(errx_hbm.at[pl.ds(base, _CW)], exbuf)
    pltpu.sync_copy(erry_hbm.at[pl.ds(base, _CW)], eybuf)

    lanes = lax.iota(jnp.int32, 16)
    lanes_f = lanes.astype(jnp.float32)
    idx5 = lanes * 5
    ninf = jnp.full((16,), -jnp.inf, dtype=jnp.float32)
    zero = jnp.zeros((16,), dtype=jnp.float32)
    y0 = wid * _RPW

    def chunk(i, carry):
        w0 = i * 16
        x0 = w0 % _W
        cen = hbuf[pl.ds(w0 + 16, 16)]
        lft = hbuf[pl.ds(w0 + 15, 16)]
        rgt = hbuf[pl.ds(w0 + 17, 16)]
        xs = x0 + lanes
        lft = jnp.where(xs == 0, ninf, lft)
        rgt = jnp.where(xs == _W - 1, ninf, rgt)
        hmax = jnp.maximum(jnp.maximum(lft, rgt), cen)
        nms = jnp.where(hmax == cen, cen, zero)
        m = nms > _THR
        ox = oxbuf[pl.ds(w0, 16)]
        oy = oybuf[pl.ds(w0, 16)]
        ex = exbuf[pl.ds(w0, 16)]
        ey = eybuf[pl.ds(w0, 16)]
        xf = x0.astype(jnp.float32) + lanes_f
        yf = (y0 + w0 // _W).astype(jnp.float32)
        rootx = jnp.where(m, xf + ox, zero)
        rooty = jnp.where(m, yf + oy, zero)
        alignx = jnp.where(m, xf + ex, zero)
        aligny = jnp.where(m, yf + ey, zero)
        ob = idx5 + w0 * 5
        plsc.store_scatter(obuf, [ob], nms)
        plsc.store_scatter(obuf, [ob + 1], rootx)
        plsc.store_scatter(obuf, [ob + 2], rooty)
        plsc.store_scatter(obuf, [ob + 3], alignx)
        plsc.store_scatter(obuf, [ob + 4], aligny)
        return carry

    lax.fori_loop(0, _NCHUNK, chunk, 0)
    pltpu.sync_copy(obuf, out_hbm.at[pl.ds(base * 5, _OW)])


def kernel(heat, offset, error):
    hf = heat.reshape(_H * _W)
    off = offset.reshape(2, _H * _W)
    err = error.reshape(2, _H * _W)
    out = _decode(hf, off[0], off[1], err[0], err[1])
    return out.reshape(_H, _W, 5)

# --- scband reference (transcript-rebuilt; emitter-appended) ---
"""Pipeline reference for scband-head-fast-47373489275408 (READ-ONLY COPY).

The authoritative reference and input builder live on the scoring server;
editing this copy changes nothing except your own understanding.
"""

import jax, jax.numpy as jnp
import numpy as np

H, W = 320, 800
THR = 0.1
ROOT_THR = 1.0


def setup_inputs(seed: int = 0) -> dict:
    key = jax.random.key(seed)
    k1, k2, k3 = jax.random.split(key, 3)
    heat = jax.random.uniform(k1, (1, 1, H, W), dtype=jnp.float32)
    offset = jax.random.normal(k2, (1, 2, H, W), dtype=jnp.float32)
    error = jax.random.normal(k3, (1, 2, H, W), dtype=jnp.float32)
    return {"heat": heat, "offset": offset, "error": error}


def _nms(heat):
    # torch: max_pool2d(heat, (1,3), stride=(1,1), padding=(0,1))
    hmax = jax.lax.reduce_window(
        heat, -jnp.inf, jax.lax.max,
        window_dimensions=(1, 1, 1, 3),
        window_strides=(1, 1, 1, 1),
        padding=[(0, 0), (0, 0), (0, 0), (1, 1)])
    keep = (hmax == heat).astype(heat.dtype)
    return heat * keep


def make_coordmat(shape):
    # shape = (C, H, W)
    h, w = shape[-2], shape[-1]
    x_coord = jnp.arange(0, w, dtype=jnp.float32).reshape(1, 1, -1)
    x_coord = jnp.tile(x_coord, (1, h, 1))
    y_coord = jnp.arange(0, h, dtype=jnp.float32).reshape(1, -1, 1)
    y_coord = jnp.tile(y_coord, (1, 1, w))
    return jnp.concatenate((x_coord, y_coord), axis=0)


def reference(heat, offset, error):
    # faithful jax translation of HeadFast.ktdet_decode_fast (dense form):
    heat_nms = _nms(heat)
    # root-center mask: offset y-channel < root_thr AND nms score > thr
    mask = offset[:, 1:2, :, :] < ROOT_THR
    mask_nms = heat_nms > THR
    mask_low = (mask & mask_nms)[0, 0].T.astype(jnp.float32)  # (W, H)
    # permute to HWC
    heat_p = jnp.transpose(heat_nms[0], (1, 2, 0))   # (H, W, 1)
    off_p = jnp.transpose(offset[0], (1, 2, 0))      # (H, W, 2)
    err_p = jnp.transpose(error[0], (1, 2, 0))       # (H, W, 2)
    coord_mat = jnp.transpose(make_coordmat(heat.shape[1:]), (1, 2, 0))  # (H, W, 2)
    root_mat = coord_mat + off_p
    align_mat = coord_mat + err_p
    heat_mat = jnp.tile(heat_p, (1, 1, 2))
    sel = (heat_mat > THR).astype(jnp.float32)
    # dense selection (equivalent of gathering root_mat/align_mat at inds_mat)
    out = jnp.concatenate([heat_p, root_mat * sel, align_mat * sel], axis=-1)  # (H, W, 5)
    return out

if __name__ == "__main__":
    import jax
    _d = setup_inputs()
    print(jax.jit(kernel)(*tuple(_d.values())))

</pallas_src>

<mosaic_0001>
#map = affine_map<(d0, d1) -> (0)>
module attributes {stable_mosaic.version = 14 : i64} {
  func.func @_decode(%arg0: i32, %arg1: i32, %arg2: memref<256000xf32, #tpu.memory_space<hbm>>, %arg3: memref<256000xf32, #tpu.memory_space<hbm>>, %arg4: memref<256000xf32, #tpu.memory_space<hbm>>, %arg5: memref<256000xf32, #tpu.memory_space<hbm>>, %arg6: memref<256000xf32, #tpu.memory_space<hbm>>, %arg7: memref<1280000xf32, #tpu.memory_space<hbm>>, %arg8: memref<8032xf32, #tpu.memory_space<vmem>>, %arg9: memref<8000xf32, #tpu.memory_space<vmem>>, %arg10: memref<8000xf32, #tpu.memory_space<vmem>>, %arg11: memref<8000xf32, #tpu.memory_space<vmem>>, %arg12: memref<8000xf32, #tpu.memory_space<vmem>>, %arg13: memref<40000xf32, #tpu.memory_space<vmem>>) attributes {dimension_semantics = [#tpu.dimension_semantics<core_parallel>, #tpu.dimension_semantics<subcore_parallel>], iteration_bounds = array<i64: 2, 16>, scalar_prefetch = 0 : i64, scratch_operands = 6 : i64, tpu.core_type = #tpu.core_type<sc_vector_subcore>, window_params = [{transform_indices = #map}, {transform_indices = #map}, {transform_indices = #map}, {transform_indices = #map}, {transform_indices = #map}, {transform_indices = #map}]} {
    %mul3A = arith.constant 16 : i32
    %mul3A_0 = arith.muli %arg0, %mul3A : i32
    %add3A = arith.addi %mul3A_0, %arg1 : i32
    %mul3A_1 = arith.constant 8000 : i32
    %mul3A_2 = arith.muli %add3A, %mul3A_1 : i32
    "tpu.region"() ({
      %run_scoped3A = tpu.sem_alloc : memref<!tpu.dma_semaphore, #tpu.memory_space<semaphore_mem>>
      %dma_start3A = arith.constant 16 : i32
      %dma_start3A_18 = tpu.memref_slice %arg8[%dma_start3A] : memref<8032xf32, #tpu.memory_space<vmem>> -> memref<8000xf32, #tpu.memory_space<vmem>>
      %dma_start3A_19 = tpu.memref_slice %arg2[%mul3A_2] : memref<256000xf32, #tpu.memory_space<hbm>> -> memref<8000xf32, #tpu.memory_space<hbm>>
      %dma_start3A_20 = arith.constant 16 : i32
      %dma_start3A_21 = tpu.memref_slice %arg8[%dma_start3A_20] : memref<8032xf32, #tpu.memory_space<vmem>> -> memref<8000xf32, #tpu.memory_space<vmem>>
      %dma_start3A_22 = tpu.memref_slice %arg2[%mul3A_2] : memref<256000xf32, #tpu.memory_space<hbm>> -> memref<8000xf32, #tpu.memory_space<hbm>>
      tpu.enqueue_dma source(%dma_start3A_22 : memref<8000xf32, #tpu.memory_space<hbm>>) target(%dma_start3A_21 : memref<8000xf32, #tpu.memory_space<vmem>>) target_semaphore(%run_scoped3A : memref<!tpu.dma_semaphore, #tpu.memory_space<semaphore_mem>>)
      %dma_wait3A = arith.constant 16 : i32
      %dma_wait3A_23 = tpu.memref_slice %arg8[%dma_wait3A] : memref<8032xf32, #tpu.memory_space<vmem>> -> memref<8000xf32, #tpu.memory_space<vmem>>
      %dma_wait3A_24 = tpu.memref_slice %arg2[%mul3A_2] : memref<256000xf32, #tpu.memory_space<hbm>> -> memref<8000xf32, #tpu.memory_space<hbm>>
      %dma_wait3A_25 = arith.constant 16 : i32
      %dma_wait3A_26 = tpu.memref_slice %arg8[%dma_wait3A_25] : memref<8032xf32, #tpu.memory_space<vmem>> -> memref<8000xf32, #tpu.memory_space<vmem>>
      %dma_wait3A_27 = tpu.memref_slice %arg2[%mul3A_2] : memref<256000xf32, #tpu.memory_space<hbm>> -> memref<8000xf32, #tpu.memory_space<hbm>>
      tpu.wait_dma2 semaphore(%run_scoped3A : memref<!tpu.dma_semaphore, #tpu.memory_space<semaphore_mem>>) src(%dma_wait3A_27 : memref<8000xf32, #tpu.memory_space<hbm>>) dst(%dma_wait3A_26 : memref<8000xf32, #tpu.memory_space<vmem>>)
      tpu.yield
    }) : () -> ()
    "tpu.region"() ({
      %run_scoped3A = tpu.sem_alloc : memref<!tpu.dma_semaphore, #tpu.memory_space<semaphore_mem>>
      %dma_start3A = tpu.memref_slice %arg3[%mul3A_2] : memref<256000xf32, #tpu.memory_space<hbm>> -> memref<8000xf32, #tpu.memory_space<hbm>>
      %dma_start3A_18 = tpu.memref_slice %arg3[%mul3A_2] : memref<256000xf32, #tpu.memory_space<hbm>> -> memref<8000xf32, #tpu.memory_space<hbm>>
      tpu.enqueue_dma source(%dma_start3A_18 : memref<8000xf32, #tpu.memory_space<hbm>>) target(%arg9 : memref<8000xf32, #tpu.memory_space<vmem>>) target_semaphore(%run_scoped3A : memref<!tpu.dma_semaphore, #tpu.memory_space<semaphore_mem>>)
      %dma_wait3A = tpu.memref_slice %arg3[%mul3A_2] : memref<256000xf32, #tpu.memory_space<hbm>> -> memref<8000xf32, #tpu.memory_space<hbm>>
      %dma_wait3A_19 = tpu.memref_slice %arg3[%mul3A_2] : memref<256000xf32, #tpu.memory_space<hbm>> -> memref<8000xf32, #tpu.memory_space<hbm>>
      tpu.wait_dma2 semaphore(%run_scoped3A : memref<!tpu.dma_semaphore, #tpu.memory_space<semaphore_mem>>) src(%dma_wait3A_19 : memref<8000xf32, #tpu.memory_space<hbm>>) dst(%arg9 : memref<8000xf32, #tpu.memory_space<vmem>>)
      tpu.yield
    }) : () -> ()
    "tpu.region"() ({
      %run_scoped3A = tpu.sem_alloc : memref<!tpu.dma_semaphore, #tpu.memory_space<semaphore_mem>>
      %dma_start3A = tpu.memref_slice %arg4[%mul3A_2] : memref<256000xf32, #tpu.memory_space<hbm>> -> memref<8000xf32, #tpu.memory_space<hbm>>
      %dma_start3A_18 = tpu.memref_slice %arg4[%mul3A_2] : memref<256000xf32, #tpu.memory_space<hbm>> -> memref<8000xf32, #tpu.memory_space<hbm>>
      tpu.enqueue_dma source(%dma_start3A_18 : memref<8000xf32, #tpu.memory_space<hbm>>) target(%arg10 : memref<8000xf32, #tpu.memory_space<vmem>>) target_semaphore(%run_scoped3A : memref<!tpu.dma_semaphore, #tpu.memory_space<semaphore_mem>>)
      %dma_wait3A = tpu.memref_slice %arg4[%mul3A_2] : memref<256000xf32, #tpu.memory_space<hbm>> -> memref<8000xf32, #tpu.memory_space<hbm>>
      %dma_wait3A_19 = tpu.memref_slice %arg4[%mul3A_2] : memref<256000xf32, #tpu.memory_space<hbm>> -> memref<8000xf32, #tpu.memory_space<hbm>>
      tpu.wait_dma2 semaphore(%run_scoped3A : memref<!tpu.dma_semaphore, #tpu.memory_space<semaphore_mem>>) src(%dma_wait3A_19 : memref<8000xf32, #tpu.memory_space<hbm>>) dst(%arg10 : memref<8000xf32, #tpu.memory_space<vmem>>)
      tpu.yield
    }) : () -> ()
    "tpu.region"() ({
      %run_scoped3A = tpu.sem_alloc : memref<!tpu.dma_semaphore, #tpu.memory_space<semaphore_mem>>
      %dma_start3A = tpu.memref_slice %arg5[%mul3A_2] : memref<256000xf32, #tpu.memory_space<hbm>> -> memref<8000xf32, #tpu.memory_space<hbm>>
      %dma_start3A_18 = tpu.memref_slice %arg5[%mul3A_2] : memref<256000xf32, #tpu.memory_space<hbm>> -> memref<8000xf32, #tpu.memory_space<hbm>>
      tpu.enqueue_dma source(%dma_start3A_18 : memref<8000xf32, #tpu.memory_space<hbm>>) target(%arg11 : memref<8000xf32, #tpu.memory_space<vmem>>) target_semaphore(%run_scoped3A : memref<!tpu.dma_semaphore, #tpu.memory_space<semaphore_mem>>)
      %dma_wait3A = tpu.memref_slice %arg5[%mul3A_2] : memref<256000xf32, #tpu.memory_space<hbm>> -> memref<8000xf32, #tpu.memory_space<hbm>>
      %dma_wait3A_19 = tpu.memref_slice %arg5[%mul3A_2] : memref<256000xf32, #tpu.memory_space<hbm>> -> memref<8000xf32, #tpu.memory_space<hbm>>
      tpu.wait_dma2 semaphore(%run_scoped3A : memref<!tpu.dma_semaphore, #tpu.memory_space<semaphore_mem>>) src(%dma_wait3A_19 : memref<8000xf32, #tpu.memory_space<hbm>>) dst(%arg11 : memref<8000xf32, #tpu.memory_space<vmem>>)
      tpu.yield
    }) : () -> ()
    "tpu.region"() ({
      %run_scoped3A = tpu.sem_alloc : memref<!tpu.dma_semaphore, #tpu.memory_space<semaphore_mem>>
      %dma_start3A = tpu.memref_slice %arg6[%mul3A_2] : memref<256000xf32, #tpu.memory_space<hbm>> -> memref<8000xf32, #tpu.memory_space<hbm>>
      %dma_start3A_18 = tpu.memref_slice %arg6[%mul3A_2] : memref<256000xf32, #tpu.memory_space<hbm>> -> memref<8000xf32, #tpu.memory_space<hbm>>
      tpu.enqueue_dma source(%dma_start3A_18 : memref<8000xf32, #tpu.memory_space<hbm>>) target(%arg12 : memref<8000xf32, #tpu.memory_space<vmem>>) target_semaphore(%run_scoped3A : memref<!tpu.dma_semaphore, #tpu.memory_space<semaphore_mem>>)
      %dma_wait3A = tpu.memref_slice %arg6[%mul3A_2] : memref<256000xf32, #tpu.memory_space<hbm>> -> memref<8000xf32, #tpu.memory_space<hbm>>
      %dma_wait3A_19 = tpu.memref_slice %arg6[%mul3A_2] : memref<256000xf32, #tpu.memory_space<hbm>> -> memref<8000xf32, #tpu.memory_space<hbm>>
      tpu.wait_dma2 semaphore(%run_scoped3A : memref<!tpu.dma_semaphore, #tpu.memory_space<semaphore_mem>>) src(%dma_wait3A_19 : memref<8000xf32, #tpu.memory_space<hbm>>) dst(%arg12 : memref<8000xf32, #tpu.memory_space<vmem>>)
      tpu.yield
    }) : () -> ()
    %iota3A = tpu.iota {dimensions = array<i32: 0>} : vector<16xi32>
    %convert_element_type3A = arith.sitofp %iota3A : vector<16xi32> to vector<16xf32>
    %mul3A_3 = arith.constant 5 : i32
    %mul3A_4 = vector.broadcast %mul3A_3 : i32 to vector<16xi32>
    %mul3A_5 = arith.muli %iota3A, %mul3A_4 : vector<16xi32>
    %broadcast_in_dim3A = arith.constant 0xFF800000 : f32
    %broadcast_in_dim3A_6 = vector.broadcast %broadcast_in_dim3A : f32 to vector<16xf32>
    %broadcast_in_dim3A_7 = arith.constant 0.000000e+00 : f32
    %broadcast_in_dim3A_8 = vector.broadcast %broadcast_in_dim3A_7 : f32 to vector<16xf32>
    %mul3A_9 = arith.constant 10 : i32
    %mul3A_10 = arith.muli %add3A, %mul3A_9 : i32
    %scan3A = arith.constant 0 : i32
    %scan3A_11 = arith.constant 0 : i32
    %scan3A_12 = arith.constant 500 : i32
    %scan3A_13 = arith.addi %scan3A_11, %scan3A_12 : i32
    %scan3A_14 = arith.constant 1 : i32
    scf.for %scan3A_18 = %scan3A_11 to %scan3A_13 step %scan3A_14  : i32 {
      %mul3A_19 = arith.constant 16 : i32
      %mul3A_20 = arith.muli %scan3A_18, %mul3A_19 : i32
      %jit3A = arith.constant 800 : i32
      %eq3A = arith.constant 0 : i32
      %eq3A_21 = arith.cmpi eq, %jit3A, %eq3A : i32
      %jit3A_22 = arith.constant 1 : i32
      %select_n3A = arith.select %eq3A_21, %jit3A_22, %jit3A : i32
      %rem3A = arith.remsi %mul3A_20, %select_n3A : i32
      %ne3A = arith.constant 0 : i32
      %ne3A_23 = arith.cmpi ne, %rem3A, %ne3A : i32
      %lt3A = arith.constant 0 : i32
      %lt3A_24 = arith.cmpi slt, %rem3A, %lt3A : i32
      %lt3A_25 = arith.constant 0 : i32
      %lt3A_26 = arith.cmpi slt, %select_n3A, %lt3A_25 : i32
      %ne3A_27 = arith.xori %lt3A_24, %lt3A_26 : i1
      %and3A = arith.andi %ne3A_27, %ne3A_23 : i1
      %add3A_28 = arith.addi %rem3A, %select_n3A : i32
      %select_n3A_29 = arith.select %and3A, %add3A_28, %rem3A : i32
      %add3A_30 = arith.constant 16 : i32
      %add3A_31 = arith.addi %mul3A_20, %add3A_30 : i32
      %get3A = arith.index_cast %add3A_31 : i32 to index
      %get3A_32 = tpu.vector_load %arg8[%get3A] {strides = array<i32>} : memref<8032xf32, #tpu.memory_space<vmem>>, vector<16xf32>,
      %add3A_33 = arith.constant 15 : i32
      %add3A_34 = arith.addi %mul3A_20, %add3A_33 : i32
      %get3A_35 = arith.index_cast %add3A_34 : i32 to index
      %get3A_36 = tpu.vector_load %arg8[%get3A_35] {strides = array<i32>} : memref<8032xf32, #tpu.memory_space<vmem>>, vector<16xf32>,
      %add3A_37 = arith.constant 17 : i32
      %add3A_38 = arith.addi %mul3A_20, %add3A_37 : i32
      %get3A_39 = arith.index_cast %add3A_38 : i32 to index
      %get3A_40 = tpu.vector_load %arg8[%get3A_39] {strides = array<i32>} : memref<8032xf32, #tpu.memory_space<vmem>>, vector<16xf32>,
      %add3A_41 = vector.broadcast %select_n3A_29 : i32 to vector<16xi32>
      %add3A_42 = arith.addi %add3A_41, %iota3A : vector<16xi32>
      %eq3A_43 = arith.constant 0 : i32
      %eq3A_44 = vector.broadcast %eq3A_43 : i32 to vector<16xi32>
      %eq3A_45 = arith.cmpi eq, %add3A_42, %eq3A_44 : vector<16xi32>
      %select_n3A_46 = arith.select %eq3A_45, %broadcast_in_dim3A_6, %get3A_36 : vector<16xi1>, vector<16xf32>
      %eq3A_47 = arith.constant 799 : i32
      %eq3A_48 = vector.broadcast %eq3A_47 : i32 to vector<16xi32>
      %eq3A_49 = arith.cmpi eq, %add3A_42, %eq3A_48 : vector<16xi32>
      %select_n3A_50 = arith.select %eq3A_49, %broadcast_in_dim3A_6, %get3A_40 : vector<16xi1>, vector<16xf32>
      %max3A = arith.maximumf %select_n3A_46, %select_n3A_50 : vector<16xf32>
      %max3A_51 = arith.maximumf %max3A, %get3A_32 : vector<16xf32>
      %eq3A_52 = arith.cmpf oeq, %max3A_51, %get3A_32 : vector<16xf32>
      %select_n3A_53 = arith.select %eq3A_52, %get3A_32, %broadcast_in_dim3A_8 : vector<16xi1>, vector<16xf32>
      %gt3A = arith.constant 1.000000e-01 : f32
      %gt3A_54 = vector.broadcast %gt3A : f32 to vector<16xf32>
      %gt3A_55 = arith.cmpf ogt, %select_n3A_53, %gt3A_54 : vector<16xf32>
      %get3A_56 = arith.index_cast %mul3A_20 : i32 to index
      %get3A_57 = tpu.vector_load %arg9[%get3A_56] {strides = array<i32>} : memref<8000xf32, #tpu.memory_space<vmem>>, vector<16xf32>,
      %get3A_58 = arith.index_cast %mul3A_20 : i32 to index
      %get3A_59 = tpu.vector_load %arg10[%get3A_58] {strides = array<i32>} : memref<8000xf32, #tpu.memory_space<vmem>>, vector<16xf32>,
      %get3A_60 = arith.index_cast %mul3A_20 : i32 to index
      %get3A_61 = tpu.vector_load %arg11[%get3A_60] {strides = array<i32>} : memref<8000xf32, #tpu.memory_space<vmem>>, vector<16xf32>,
      %get3A_62 = arith.index_cast %mul3A_20 : i32 to index
      %get3A_63 = tpu.vector_load %arg12[%get3A_62] {strides = array<i32>} : memref<8000xf32, #tpu.memory_space<vmem>>, vector<16xf32>,
      %convert_element_type3A_64 = arith.sitofp %select_n3A_29 : i32 to f32
      %add3A_65 = vector.broadcast %convert_element_type3A_64 : f32 to vector<16xf32>
      %add3A_66 = arith.addf %add3A_65, %convert_element_type3A : vector<16xf32>
      %jit3A_67 = arith.constant 800 : i32
      %div3A = arith.divsi %mul3A_20, %jit3A_67 : i32
      %sign3A = arith.constant 0 : i32
      %sign3A_68 = arith.cmpi sgt, %mul3A_20, %sign3A : i32
      %sign3A_69 = arith.extui %sign3A_68 : i1 to i32
      %sign3A_70 = arith.constant 0 : i32
      %sign3A_71 = arith.cmpi slt, %mul3A_20, %sign3A_70 : i32
      %sign3A_72 = arith.extui %sign3A_71 : i1 to i32
      %sign3A_73 = arith.subi %sign3A_69, %sign3A_72 : i32
      %sign3A_74 = arith.constant 0 : i32
      %sign3A_75 = arith.cmpi sgt, %jit3A_67, %sign3A_74 : i32
      %sign3A_76 = arith.extui %sign3A_75 : i1 to i32
      %sign3A_77 = arith.constant 0 : i32
      %sign3A_78 = arith.cmpi slt, %jit3A_67, %sign3A_77 : i32
      %sign3A_79 = arith.extui %sign3A_78 : i1 to i32
      %sign3A_80 = arith.subi %sign3A_76, %sign3A_79 : i32
      %ne3A_81 = arith.cmpi ne, %sign3A_73, %sign3A_80 : i32
      %rem3A_82 = arith.remsi %mul3A_20, %jit3A_67 : i32
      %ne3A_83 = arith.constant 0 : i32
      %ne3A_84 = arith.cmpi ne, %rem3A_82, %ne3A_83 : i32
      %and3A_85 = arith.andi %ne3A_81, %ne3A_84 : i1
      %sub3A = arith.constant 1 : i32
      %sub3A_86 = arith.subi %div3A, %sub3A : i32
      %select_n3A_87 = arith.select %and3A_85, %sub3A_86, %div3A : i32
      %add3A_88 = arith.addi %mul3A_10, %select_n3A_87 : i32
      %convert_element_type3A_89 = arith.sitofp %add3A_88 : i32 to f32
      %add3A_90 = arith.addf %add3A_66, %get3A_57 : vector<16xf32>
      %select_n3A_91 = arith.select %gt3A_55, %add3A_90, %broadcast_in_dim3A_8 : vector<16xi1>, vector<16xf32>
      %add3A_92 = vector.broadcast %convert_element_type3A_89 : f32 to vector<16xf32>
      %add3A_93 = arith.addf %add3A_92, %get3A_59 : vector<16xf32>
      %select_n3A_94 = arith.select %gt3A_55, %add3A_93, %broadcast_in_dim3A_8 : vector<16xi1>, vector<16xf32>
      %add3A_95 = arith.addf %add3A_66, %get3A_61 : vector<16xf32>
      %select_n3A_96 = arith.select %gt3A_55, %add3A_95, %broadcast_in_dim3A_8 : vector<16xi1>, vector<16xf32>
      %add3A_97 = vector.broadcast %convert_element_type3A_89 : f32 to vector<16xf32>
      %add3A_98 = arith.addf %add3A_97, %get3A_63 : vector<16xf32>
      %select_n3A_99 = arith.select %gt3A_55, %add3A_98, %broadcast_in_dim3A_8 : vector<16xi1>, vector<16xf32>
      %mul3A_100 = arith.constant 5 : i32
      %mul3A_101 = arith.muli %mul3A_20, %mul3A_100 : i32
      %add3A_102 = vector.broadcast %mul3A_101 : i32 to vector<16xi32>
      %add3A_103 = arith.addi %mul3A_5, %add3A_102 : vector<16xi32>
      tpu.vector_store_idx %arg13[%add3A_103], %select_n3A_53 : memref<40000xf32, #tpu.memory_space<vmem>>[vector<16xi32>], vector<16xf32>,
      %add3A_104 = arith.constant 1 : i32
      %add3A_105 = vector.broadcast %add3A_104 : i32 to vector<16xi32>
      %add3A_106 = arith.addi %add3A_103, %add3A_105 : vector<16xi32>
      tpu.vector_store_idx %arg13[%add3A_106], %select_n3A_91 : memref<40000xf32, #tpu.memory_space<vmem>>[vector<16xi32>], vector<16xf32>,
      %add3A_107 = arith.constant 2 : i32
      %add3A_108 = vector.broadcast %add3A_107 : i32 to vector<16xi32>
      %add3A_109 = arith.addi %add3A_103, %add3A_108 : vector<16xi32>
      tpu.vector_store_idx %arg13[%add3A_109], %select_n3A_94 : memref<40000xf32, #tpu.memory_space<vmem>>[vector<16xi32>], vector<16xf32>,
      %add3A_110 = arith.constant 3 : i32
      %add3A_111 = vector.broadcast %add3A_110 : i32 to vector<16xi32>
      %add3A_112 = arith.addi %add3A_103, %add3A_111 : vector<16xi32>
      tpu.vector_store_idx %arg13[%add3A_112], %select_n3A_96 : memref<40000xf32, #tpu.memory_space<vmem>>[vector<16xi32>], vector<16xf32>,
      %add3A_113 = arith.constant 4 : i32
      %add3A_114 = vector.broadcast %add3A_113 : i32 to vector<16xi32>
      %add3A_115 = arith.addi %add3A_103, %add3A_114 : vector<16xi32>
      tpu.vector_store_idx %arg13[%add3A_115], %select_n3A_99 : memref<40000xf32, #tpu.memory_space<vmem>>[vector<16xi32>], vector<16xf32>,
    }
    %scan3A_15 = arith.constant 500 : i32
    %mul3A_16 = arith.constant 5 : i32
    %mul3A_17 = arith.muli %mul3A_2, %mul3A_16 : i32
    "tpu.region"() ({
      %run_scoped3A = tpu.sem_alloc : memref<!tpu.dma_semaphore, #tpu.memory_space<semaphore_mem>>
      %dma_start3A = tpu.memref_slice %arg7[%mul3A_17] : memref<1280000xf32, #tpu.memory_space<hbm>> -> memref<40000xf32, #tpu.memory_space<hbm>>
      %dma_start3A_18 = tpu.memref_slice %arg7[%mul3A_17] : memref<1280000xf32, #tpu.memory_space<hbm>> -> memref<40000xf32, #tpu.memory_space<hbm>>
      tpu.enqueue_dma source(%arg13 : memref<40000xf32, #tpu.memory_space<vmem>>) target(%dma_start3A_18 : memref<40000xf32, #tpu.memory_space<hbm>>) target_semaphore(%run_scoped3A : memref<!tpu.dma_semaphore, #tpu.memory_space<semaphore_mem>>)
      %dma_wait3A = tpu.memref_slice %arg7[%mul3A_17] : memref<1280000xf32, #tpu.memory_space<hbm>> -> memref<40000xf32, #tpu.memory_space<hbm>>
      %dma_wait3A_19 = tpu.memref_slice %arg7[%mul3A_17] : memref<1280000xf32, #tpu.memory_space<hbm>> -> memref<40000xf32, #tpu.memory_space<hbm>>
      tpu.wait_dma2 semaphore(%run_scoped3A : memref<!tpu.dma_semaphore, #tpu.memory_space<semaphore_mem>>) src(%arg13 : memref<40000xf32, #tpu.memory_space<vmem>>) dst(%dma_wait3A_19 : memref<40000xf32, #tpu.memory_space<hbm>>)
      tpu.yield
    }) : () -> ()
    return
  }
}

</mosaic_0001>

<sc_bundles>
// kernel: kernel.3.cloned.1.call-start
scs
__scs_entry_jumppad:
0x0: {  	(pc) =	sbr.rel $0x88, $3  }
0x1: {  	(tag) =	ssettag $0x0;
	lr =	simm.s32 $0x1  }
0x2: {  	[smem:$0x3F9E] =	sst lr;
	_ =	strace $0xD0000000  }
0x3: {  	_ = 	snop  }
0x4: {  	_ = 	snop  }
0x5: {  	_ = 	snop  }
0x6: {  	_ = 	snop  }
0x7: {  	_ = 	snop  }
__scs_overlays_trampoline_lowered:
0x8: {  	[smem:$0x3FAD] =	sst s0  }
0x9: {  	[smem:$0x3FAE] =	sst s1  }
0xa: {  	[smem:$0x3FAF] =	sst s2  }
0xb: {  	[smem:$0x3FB0] =	sst s3  }
0xc: {  	[smem:$0x3FB1] =	sst s4  }
0xd: {  	[smem:$0x3FB2] =	sst s5  }
0xe: {  	[smem:$0x3FB3] =	sst s6  }
0xf: {  	[smem:$0x3FB4] =	sst s7  }
0x10: {  	[smem:$0x3FB5] =	sst s8  }
0x11: {  	[smem:$0x3FB6] =	sst s9;
	s0 =	simm.s32 @!p0 $0x0  }
0x12: {  	s1 =	sld [smem:$0x3F9C];
	s0 =	simm.s32 @p0 $0x1  }
0x13: {  	[smem:$0x3FB7] =	sst s0;
	s0 =	simm.s32 @!p1 $0x0  }
0x14: {  	s2 =	sld [smem:$0x3F9B];
	s0 =	simm.s32 @p1 $0x1  }
0x15: {  	[smem:$0x3FB8] =	sst s0;
	s0 =	simm.s32 @!p2 $0x0  }
0x16: {  	s3 =	sld [smem:$0x3FDB];
	s0 =	simm.s32 @p2 $0x1  }
0x17: {  	s4 =	simm.s32 $0x1BF5;
	[smem:$0x3FBA] =	sst s0  }
0x18: {  	s0 =	sld [smem:$0x3F9D];
	_ =	swait.ge [sflag:s4], $0x0  }
0x19: {  	s7 =	sld [smem:$0x3F9E]  }
0x1a: {  	s8 =	sadd.s32 $0xFFFFE003, lr  }
0x1b: {  	s9 =	sadd.s32 $0xFFFFFEF7, lr;
	s5 =	simm.s32 $0xFFFFFFFF;
	p2 =	slt.u32 s8, $0xFFFFF086  }
0x1c: {  	p1 =	slt.u32 s9, $0xF7A;
	s5 =	simm.s32 @!p2 $0x0  }
0x1d: {  	s5 =	simm.s32 @p1 $0x1;
	p0 =	seq.s32 s7, s2  }
0x1e: {  	s7 =	smul.u32 @!p0 $0xF7A, s2;
	p2 =	seq.s32 @!p0 s5, $0x0  }
0x1f: {  	s9 =	smul.u32 $0xF7A, s1;
	s8 =	simm.s32 @!p0 $0x1BF5;
	p2 =	por !p2, p0  }
0x20: {  	[sflag:s8] =	ssyncset.s32 @!p0 $0xFFFFF086;
	s6 =	sadd.s32 @!p0 s3, s7;
	s7 =	simm.s32 @!p0 $0x108  }
0x21: {  	s3 =	sadd.s32 s3, s9;
	s6 =	sadd.s32 @!p0 $0x88, s6;
	s7 =	simm.s32 @p2 $0x1082  }
0x22: {  	[simem:s7], [sflag:s8] =	dma.local @!p0 [hbm:s6], $0xF7A  }
0x23: {  	s9 =	sor.u32 $0xD0000000, s2;
	s6 =	simm.s32 $0x108;
	_ =	swait.ge @!p0 [sflag:s8], $0x0  }
0x24: {  	s3 =	sadd.s32 $0x88, s3;
	s6 =	simm.s32 @!p1 $0x1082;
	[sflag:s4] =	ssyncset.s32 $0xFFFFF086  }
0x25: {  	[simem:s6], [sflag:s4] =	dma.local [hbm:s3], $0xF7A  }
0x26: {  	[smem:$0x3F9E] =	sst s1;
	(tag) =	ssettag s2;
	_ =	strace s9  }
0x27: {  	s1 =	sld [smem:$0x3FAE]  }
0x28: {  	s2 =	sld [smem:$0x3FAF]  }
0x29: {  	s4 =	sld [smem:$0x3FB1]  }
0x2a: {  	p0 =	seq.s32 s5, $0x0;
	s5 =	sld [smem:$0x3FB2]  }
0x2b: {  	s6 =	sld [smem:$0x3FB3]  }
0x2c: {  	s7 =	sld [smem:$0x3FB4]  }
0x2d: {  	s3 =	simm.s32 $0x108;
	s8 =	sld [smem:$0x3FB5]  }
0x2e: {  	s3 =	simm.s32 @!p0 $0x1082;
	s9 =	sld [smem:$0x3FB6]  }
0x2f: {  	lr =	sadd.s32 s0, s3;
	s0 =	sld [smem:$0x3FAD]  }
0x30: {  	s3 =	sld [smem:$0x3FB0]  }
0x31: {  	[smem:$0x3FB9] =	sst s10  }
0x32: {  	s10 =	sld [smem:$0x3FB7];
	_ =	sdelay $0x3  }
0x33: {  	p0 =	seq.s32 s10, $0x1;
	s10 =	sld [smem:$0x3FB9];
	_ =	sdelay $0x3  }
0x34: {  	[smem:$0x3FB9] =	sst s10  }
0x35: {  	s10 =	sld [smem:$0x3FB8];
	_ =	sdelay $0x3  }
0x36: {  	p1 =	seq.s32 s10, $0x1;
	s10 =	sld [smem:$0x3FB9];
	_ =	sdelay $0x3  }
0x37: {  	[smem:$0x3FB9] =	sst s10  }
0x38: {  	s10 =	sld [smem:$0x3FBA]  }
0x39: {  	_ = 	snop;
	(pc) =	sbr.ind lr, $3  }
0x3a: {  	_ = 	snop  }
0x3b: {  	_ = 	snop  }
0x3c: {  	p2 =	seq.s32 s10, $0x1;
	s10 =	sld [smem:$0x3FB9]  }
0x3d: {  	_ =	shalt  }
0x3e: {  	_ =	shalt  }
0x3f: {  	_ =	shalt  }
0x40: {  	_ =	shalt  }
0x41: {  	_ =	shalt  }
0x42: {  	_ =	shalt  }
0x43: {  	_ =	shalt  }
0x44: {  	_ =	shalt  }
0x45: {  	_ =	shalt  }
0x46: {  	_ =	shalt  }
0x47: {  	_ =	shalt  }
0x48: {  	_ =	shalt  }
0x49: {  	_ =	shalt  }
0x4a: {  	_ =	shalt  }
0x4b: {  	_ =	shalt  }
0x4c: {  	_ =	shalt  }
0x4d: {  	_ =	shalt  }
0x4e: {  	_ =	shalt  }
0x4f: {  	_ =	shalt  }
0x50: {  	_ =	shalt  }
0x51: {  	_ =	shalt  }
0x52: {  	_ =	shalt  }
0x53: {  	_ =	shalt  }
0x54: {  	_ =	shalt  }
0x55: {  	_ =	shalt  }
0x56: {  	_ =	shalt  }
0x57: {  	_ =	shalt  }
0x58: {  	_ =	shalt  }
0x59: {  	_ =	shalt  }
0x5a: {  	_ =	shalt  }
0x5b: {  	_ =	shalt  }
0x5c: {  	_ =	shalt  }
0x5d: {  	_ =	shalt  }
0x5e: {  	_ =	shalt  }
0x5f: {  	_ =	shalt  }
0x60: {  	_ =	shalt  }
0x61: {  	_ =	shalt  }
0x62: {  	_ =	shalt  }
0x63: {  	_ =	shalt  }
0x64: {  	_ =	shalt  }
0x65: {  	_ =	shalt  }
0x66: {  	_ =	shalt  }
0x67: {  	_ =	shalt  }
0x68: {  	_ =	shalt  }
0x69: {  	_ =	shalt  }
0x6a: {  	_ =	shalt  }
0x6b: {  	_ =	shalt  }
0x6c: {  	_ =	shalt  }
0x6d: {  	_ =	shalt  }
0x6e: {  	_ =	shalt  }
0x6f: {  	_ =	shalt  }
0x70: {  	_ =	shalt  }
0x71: {  	_ =	shalt  }
0x72: {  	_ =	shalt  }
0x73: {  	_ =	shalt  }
0x74: {  	_ =	shalt  }
0x75: {  	_ =	shalt  }
0x76: {  	_ =	shalt  }
0x77: {  	_ =	shalt  }
0x78: {  	_ =	shalt  }
0x79: {  	_ =	shalt  }
0x7a: {  	_ =	shalt  }
0x7b: {  	_ =	shalt  }
0x7c: {  	_ =	shalt  }
0x7d: {  	_ =	shalt  }
0x7e: {  	_ =	shalt  }
0x7f: {  	_ =	shalt  }
0x80: {  	_ =	shalt  }
0x81: {  	_ =	shalt  }
0x82: {  	_ =	shalt  }
0x83: {  	_ =	shalt  }
0x84: {  	_ =	shalt  }
0x85: {  	_ =	shalt  }
0x86: {  	_ =	shalt  }
0x87: {  	_ =	shalt  }
.Lfunc_end0:
.L_simem_size_0:
called_computation_lowered:
.L_overlay_start_0:
0x88: {  	s2 =	sld [smem:$0x3FD9]  }
0x89: {  	s3 =	sld [smem:$0x3FFE];
	_ =	sdelay $0x1  }
0x8a: {  	s1 =	srdreg.scid  }
0x8b: {  	s0 =	sand.u32 $0x1, s1  }
0x8c: {  	s17 =	sshll.u32 s0, $0xA;
	s2 =	sadd.s32 s3, s2  }
0x8d: {  	s2 =	sadd.s32 s2, s17  }
0x8e: {  	[smem:$0x3FC5] =	sst s2  }
0x8f: {  	_ = 	snop  }
0x90: {  	s2 =	sld [smem:$0x3FD0];
	(tm) =	ssettm $0x1  }
0x91: {  	s18 =	sld [smem:$0x3FFB];
	_ =	sdelay $0x3  }
0x92: {  	_ =	strace s18  }
0x93: {  	s3 =	sld [smem:$0x3FFC];
	_ =	sdelay $0x3  }
0x94: {  	_ =	strace s3  }
0x95: {  	s3 =	sld [smem:$0x3FFD];
	_ =	sdelay $0x3  }
0x96: {  	_ =	strace s3  }
0x97: {  	_ =	strace $0x8FFFFFFF  }
0x98: {  	s19 =	sld [smem:$0x3FDB];
	_ =	sdelay $0x1  }
0x99: {  	s4 =	simm.s32 $_scs_section_size  }
0x9a: {  	s5 =	simm.s32 $_size__tile_overlayer_lowered;
	s6 =	simm.s32 $_tile_overlayer_lowered  }
0x9b: {  	s22 =	simm.s32 $0x1BFF;
	s21 =	sshll.u32 s6, $0x1;
	s3 =	sadd.s32 s4, s19  }
0x9c: {  	s7 =	simm.s32 $0x0;
	s20 =	sshll.u32 s5, $0x1;
	s5 =	sadd.s32 s21, s3  }
0x9d: {  	[timem:s7], [sflag:s22] =	dma.local [hbm:s5], s20  }
0x9e: {  	_ =	swait.ge [sflag:s22], s20  }
0x9f: {  	s4 =	ssub.s32 $0x0, s20;
	[sflag:s22] =	ssyncset.done $0x0  }
0xa0: {  	[sflag:s22] =	ssyncadd.s32 s4;
	_ =	sdelay $0x1  }
0xa1: {  	s23 =	simm.s32 $0x1B8B  }
0xa2: {  	_ =	swait.ge [sflag:s23], $0x1  }
0xa3: {  	[sflag:s23] =	ssyncset.done $0x0  }
0xa4: {  	s25 =	simm.s32 $0x1B8E;
	s24 =	sld [smem:$0x3FFE];
	[sflag:s23] =	ssyncadd.s32 $0xFFFFFFFF  }
0xa5: {  	s26 =	simm.s32 $execute0_lowered;
	[smem:$0x3FD2] =	sst s25  }
0xa6: {  	s5 =	sshll.u32 s26, $0x1;
	_ =	strace $0x80000046;
	[dreg:$0x1] =	wrdreg $0xFFFFFFFF  }
0xa7: {  	s28 =	simm.s32 $_size_execute0_lowered;
	s3 =	sadd.s32 s3, s5;
	[dreg:$0x0] =	wrdreg $0x0  }
0xa8: {  	s5 =	sshll.u32 s28, $0x1;
	[dreg:$0x2] =	wrdreg s3  }
0xa9: {  	[dreg:$0x3] =	wrdreg s5  }
0xaa: {  	[dreg:$0x4] =	wrdreg $0xC0  }
0xab: {  	_ =	task [dreg:s7], $0x5FFFF  }
0xac: {  	[dreg:$0x1] =	wrdreg $0xFFFFFFFF  }
0xad: {  	[dreg:$0x0] =	wrdreg $0x60  }
0xae: {  	[dreg:$0x2] =	wrdreg s24  }
0xaf: {  	[dreg:$0x3] =	wrdreg s2  }
0xb0: {  	[dreg:$0x4] =	wrdreg $0x9  }
0xb1: {  	_ =	task.clear_ibuf [dreg:s7], $0x5FFFF;
	_ =	strace $0x90000046  }
0xb2: {  	s29 =	simm.s32 $0x9;
	_ =	strace $0x80000048  }
0xb3: {  	_ =	swait.ge [sflag:s29], $0x1  }
0xb4: {  	[sflag:s29] =	ssyncadd.s32 $0xFFFFFFFF  }
0xb5: {  	_ =	strace $0x90000048  }
0xb6: {  	_ =	sfence  }
0xb7: {  	s30 =	sld [smem:$0x0];
	_ =	sdelay $0x2  }
0xb8: {  	s31 =	sshll.u32 s1, $0xD;
	s1 =	sshrl.u32 s1, $0x2  }
0xb9: {  	s3 =	sand.u32 $0x4000, s31;
	s1 =	sadd.s32 s1, s30  }
0xba: {  	s0 =	sor.u32 s3, s0;
	s1 =	sshll.u32 s1, $0x11  }
0xbb: {  	s0 =	sor.u32 s1, s0  }
0xbc: {  	s0 =	sadd.s32 $0x8F2B, s0  }
0xbd: {  	[sflag:s0] =	ssyncadd.remote.s32 $0x1  }
0xbe: {  	_ =	sfence.sel $0xFFFF  }
0xbf: {  	[dreg:$0x0] =	wrdreg $0xFFFFFFFF;
	(pc) =	sbr.abs _section_cstart, $3  }
0xc0: {  	[dreg:$0x1] =	wrdreg $0xFFFFFFFF  }
0xc1: {  	_ =	task.clear_ibuf [dreg:s7], $0x2FFFF;
	_ =	strace $0x9FFFFFFF  }
0xc2: {  	(tm) =	ssettm $0x7FFFFFFF  }
0xc3: {  	_ =	shalt  }
tec
execute0_lowered:
.L_overlay_start_1:
0x0: {  	(tag) =	ssettag $0x1  }
0x1: {  	v0 =	vimm.f32 $1.500000000e+01;
	vm0 =	vcmask $0x300  }
0x2: {  	vm14 =	vcmask $0x704;
	v0 =	vsel vm0, $0x0, v0  }
0x3: {  	vm15 =	vcmask $0xB08;
	v0 =	vsel vm14, $0x3F800000, v0  }
0x4: {  	vm4 =	vcmask $0xF0C;
	v0 =	vsel vm15, $0x40000000, v0  }
0x5: {  	vm5 =	vcmask $0x1310;
	v0 =	vsel vm4, $0x40400000, v0  }
0x6: {  	vm6 =	vcmask $0x1714;
	v0 =	vsel vm5, $0x40800000, v0  }
0x7: {  	vm7 =	vcmask $0x1B18;
	v0 =	vsel vm6, $0x40A00000, v0  }
0x8: {  	s0 =	srdreg.scid;
	vm8 =	vcmask $0x1F1C;
	s4 =	rddreg [dreg:$0x0];
	v0 =	vsel vm7, $0x40C00000, v0  }
0x9: {  	vm9 =	vcmask $0x2320;
	s9 =	rddreg [dreg:$0x1];
	s2 =	simm.s32 $0x0;
	s3 =	sand.u32 $0x1, s0;
	v0 =	vsel vm8, $0x40E00000, v0  }
0xa: {  	vm10 =	vcmask $0x2724;
	s12 =	simm.s32 $0x1;
	s0 =	stileid.u32;
	s1 =	sshll.u32 s3, $0x4;
	v0 =	vsel vm9, $0x41000000, v0  }
0xb: {  	vm11 =	vcmask $0x2B28;
	s13 =	simm.s32 $0x9D80;
	s14 =	simm.s32 $0x0;
	s8 =	sor.u32 s0, s1;
	v1 =	vsel vm10, $0x41100000, v0  }
0xc: {  	vm12 =	vcmask $0x2F2C;
	vm13 =	vcmask $0x3330;
	[smem:$0x7FF] =	sst s2;
	s3 =	ssub.s32 $0x2, s3;
	s5 =	smul.u32 $0x3E8, s8;
	v1 =	vsel vm11, $0x41200000, v1  }
0xd: {  	vm14 =	vcmask $0x3734;
	s1 =	rddreg [dreg:$0x2];
	s31 =	sshrl.u32 s3, $0x1;
	s11 =	smul.u32 $0x1388, s8;
	v0 =	vlaneseq.u32;
	v1 =	vsel vm12, $0x41300000, v1  }
0xe: {  	_ =	strace $0x80000047;
	s10 =	ssub.s32 s3, s31;
	s8 =	smul.u32 $0xA, s8;
	v2 =	vmul.u32 $0xFFFFFFFF, v0;
	v3 =	vsel vm13, $0x41400000, v1;
	v1 =	vmul.u32 $0x5, v0  }
0xf: {  	vm15 =	vcmask $0x3B38;
	s10 =	smax.u32 s10, $0x1;
	s7 =	sadd.s32 s5, s4;
	s9 =	sadd.s32 s9, s11;
	v3 =	vsel vm14, $0x41500000, v3  }
0x10: {  	s11 =	simm.s32 $0x10;
	s3 =	sadd.s32 $0x1200, s7;
	s4 =	sadd.s32 $0x9000, s7;
	v2 =	vadd.s32 $0x31F, v2;
	v3 =	vsel vm15, $0x41600000, v3;
	v4 =	vadd.s32 $0x1, v1  }
0x11: {  	s5 =	sadd.s32 $0x18C00, s7;
	s6 =	sadd.s32 $0x10E00, s7;
	s7 =	sadd.s32 $0x20A00, s7;
	v5 =	vadd.s32 $0x2, v1;
	v6 =	vadd.s32 $0x3, v1;
	v7 =	vadd.s32 $0x4, v1  }
.LBB2_1:
0x12: {  	[tilespmem:s11], [sflag:$0x1] =	stream.linear.gather [hbm4b:s3+s2], $0x1F40, $0x38;
	[tilespmem:$0x13A00] =	vst v63  }
0x13: {  	_ =	swait.ge [sflag:s12], $0x1F40  }
0x14: {  	[sflag:s12] =	ssyncset.done $0x0  }
0x15: {  	s15 =	simm.s32 $0x1F80;
	[sflag:s12] =	ssyncadd.s32 $0xFFFFE0C0  }
0x16: {  	[tilespmem:s15], [sflag:$0x1] =	stream.linear.gather [hbm4b:s4+s2], $0x1F40, $0x38;
	[tilespmem:$0x13A00] =	vst v63  }
0x17: {  	_ =	swait.ge [sflag:s12], $0x1F40  }
0x18: {  	[sflag:s12] =	ssyncset.done $0x0  }
0x19: {  	s16 =	simm.s32 $0x3F00;
	[sflag:s12] =	ssyncadd.s32 $0xFFFFE0C0  }
0x1a: {  	[tilespmem:s16], [sflag:$0x1] =	stream.linear.gather [hbm4b:s5+s2], $0x1F40, $0x38;
	[tilespmem:$0x13A00] =	vst v63  }
0x1b: {  	_ =	swait.ge [sflag:s12], $0x1F40  }
0x1c: {  	[sflag:s12] =	ssyncset.done $0x0  }
0x1d: {  	s17 =	simm.s32 $0x5E80;
	[sflag:s12] =	ssyncadd.s32 $0xFFFFE0C0  }
0x1e: {  	[tilespmem:s17], [sflag:$0x1] =	stream.linear.gather [hbm4b:s6+s2], $0x1F40, $0x38;
	[tilespmem:$0x13A00] =	vst v63  }
0x1f: {  	_ =	swait.ge [sflag:s12], $0x1F40  }
0x20: {  	[sflag:s12] =	ssyncset.done $0x0  }
0x21: {  	s18 =	simm.s32 $0x7E00;
	s19 =	sand.u32 $0xFFE0, s2;
	[sflag:s12] =	ssyncadd.s32 $0xFFFFE0C0  }
0x22: {  	[tilespmem:s18], [sflag:$0x1] =	stream.linear.gather [hbm4b:s7+s2], $0x1F40, $0x38;
	[tilespmem:$0x13A00] =	vst v63  }
0x23: {  	s19 =	sshrl.u32 s19, $0x5;
	_ =	swait.ge [sflag:s12], $0x1F40  }
0x24: {  	s19 =	smul.u32 $0xA3E, s19;
	[sflag:s12] =	ssyncset.done $0x0  }
0x25: {  	s20 =	simm.s32 $0x11;
	[sflag:s12] =	ssyncadd.s32 $0xFFFFE0C0  }
0x26: {  	s19 =	sshrl.u32 s19, $0x10;
	v8 =	vld [tilespmem:s20+$0x0]  }
0x27: {  	s19 =	smul.u32 $0x320, s19;
	v9 =	vld [tilespmem:s20+$0xFFFFFFFE];
	_ =	sdelay $0x1  }
0x28: {  	s19 =	ssub.s32 $0x0, s19  }
0x29: {  	s28 =	sand.u32 $0xFFFE, s2;
	s19 =	sand.u32 $0xFFFF, s19;
	v10 =	vld [tilespmem:s20+$0xFFFFFFFF]  }
0x2a: {  	v11 =	vmov s19;
	s20 =	sshrl.u32 s28, $0x1  }
0x2b: {  	vm0 =	veq.s32 v11, v2;
	v13 =	vld [tilespmem:s15+$0x0];
	s20 =	smul.u32 $0x147B, s20;
	v12 =	vmax.f32 v9, v8  }
0x2c: {  	s19 =	scvt.s32.f32 s19;
	vm1 =	veq.s32 v11, v0;
	v11 =	vld [tilespmem:s16+$0x0];
	v9 =	vsel vm0, v9, v12  }
0x2d: {  	v62 =	vadd.s32 s2, v1;
	s29 =	sshrl.u32 s20, $0x11;
	v8 =	vsel vm1, v8, v9  }
0x2e: {  	v16 =	vadd.s32 s2, v4;
	v14 =	vadd.f32 s19, v3;
	v9 =	vld [tilespmem:s17+$0x0];
	s17 =	sadd.s32 s29, s8;
	v8 =	vmax.f32 v8, v10  }
0x2f: {  	s17 =	scvt.s32.f32 s17;
	vm15 =	veq.f32 v8, v10;
	v8 =	vadd.s32 s2, v5  }
0x30: {  	v15 =	vld [tilespmem:s18+$0x0];
	v13 =	vadd.f32 v13, v14;
	v10 =	vnsel vm15, $0x0, v10  }
0x31: {  	v11 =	vadd.f32 s17, v11;
	vm0 =	vgt.f32 v10, $1.000000010e-01  }
0x32: {  	v17 =	vadd.s32 s2, v6;
	[tilespmem:v62+s13+$0x0] =	vst.idx.msk $0xffff, v10;
	v13 =	vnsel vm0, $0x0, v13  }
0x33: {  	v10 =	vnsel vm0, $0x0, v11;
	[tilespmem:v16+s13+$0x0] =	vst.idx.msk $0xffff, v13  }
0x34: {  	s18 =	simm.s32 $0x10;
	v9 =	vadd.f32 v9, v14;
	[tilespmem:v8+s13+$0x0] =	vst.idx.msk $0xffff, v10;
	v8 =	vadd.s32 s2, v7  }
0x35: {  	s23 =	simm.s32 $0x2;
	s22 =	simm.s32 $0x21;
	s30 =	sand.u32 $0xFFE0, s18;
	v11 =	vadd.f32 s17, v15  }
0x36: {  	s21 =	simm.s32 $0x0;
	s19 =	simm.s32 $0x5E90;
	s31 =	sshrl.u32 s30, $0x5;
	v63 =	vnsel vm0, $0x0, v9  }
0x37: {  	s20 =	simm.s32 $0x1;
	s24 =	smul.u32 $0xA3E, s31;
	s17 =	simm.s32 $0x7E10;
	v9 =	vnsel vm0, $0x0, v11;
	[tilespmem:v17+s13+$0x0] =	vst.idx.msk $0xffff, v63  }
.LBB2_2:
0x38: {  	s21 =	sadd.s32 $0x50, s21  }
0x39: {  	[tilespmem:v8+s13+$0x0] =	vst.idx.msk $0xffff, v9;
	s15 =	sadd.s32 $0x10, s15;
	s16 =	sadd.s32 $0x10, s16;
	s25 =	smov.u32 s23  }
0x3a: {  	p0 =	sne.s32 s23, $0x1F3;
	s23 =	sadd.s32 $0x1, s23;
	s24 =	sshrl.u32 s24, $0x10;
	v8 =	vld [tilespmem:s22+$0x0]  }
0x3b: {  	s24 =	smul.u32 $0x320, s24;
	v9 =	vld [tilespmem:s22+$0xFFFFFFFE];
	_ =	sdelay $0x1  }
0x3c: {  	s24 =	ssub.s32 s18, s24  }
0x3d: {  	s26 =	sand.u32 $0xFFFE, s20;
	s20 =	smov.u32 s25;
	s24 =	sand.u32 $0xFFFF, s24;
	v10 =	vld [tilespmem:s22+$0xFFFFFFFF]  }
0x3e: {  	s25 =	sshrl.u32 s26, $0x1;
	v11 =	vmov s24;
	s24 =	scvt.s32.f32 s24  }
0x3f: {  	s25 =	smul.u32 $0x147B, s25;
	vm0 =	veq.s32 v11, v2;
	v12 =	vmax.f32 v9, v8;
	v13 =	vld [tilespmem:s15+$0x0]  }
0x40: {  	vm1 =	veq.s32 v11, v0;
	v9 =	vsel vm0, v9, v12;
	v11 =	vld [tilespmem:s16+$0x0];
	v12 =	vadd.f32 s24, v3  }
0x41: {  	v14 =	vadd.s32 s21, v1;
	s24 =	sshrl.u32 s25, $0x11;
	v8 =	vsel vm1, v8, v9;
	v9 =	vld [tilespmem:s19+$0x0]  }
0x42: {  	v16 =	vadd.s32 s21, v4;
	s24 =	sadd.s32 s24, s8;
	v8 =	vmax.f32 v8, v10;
	v15 =	vld [tilespmem:s17+$0x0]  }
0x43: {  	v17 =	vadd.s32 s21, v5;
	s24 =	scvt.s32.f32 s24;
	vm0 =	veq.f32 v8, v10  }
0x44: {  	v18 =	vadd.s32 s21, v6;
	v10 =	vnsel vm0, $0x0, v10;
	v13 =	vadd.f32 v13, v12  }
.Ltmp0:
0x45: {  	v8 =	vadd.s32 s21, v7;
	vm0 =	vgt.f32 v10, $1.000000010e-01;
	v11 =	vadd.f32 s24, v11;
	(pc) =	sbr.rel @p0 .LBB2_2-.Ltmp0, $4  }
0x46: {  	s18 =	sadd.s32 $0x10, s18;
	v13 =	vnsel vm0, $0x0, v13;
	v9 =	vadd.f32 v9, v12;
	[tilespmem:v14+s13+$0x0] =	vst.idx.msk $0xffff, v10  }
0x47: {  	s25 =	sand.u32 $0xFFE0, s18;
	v10 =	vnsel vm0, $0x0, v11;
	v11 =	vadd.f32 s24, v15;
	[tilespmem:v16+s13+$0x0] =	vst.idx.msk $0xffff, v13  }
0x48: {  	s22 =	sadd.s32 $0x10, s22;
	s24 =	sshrl.u32 s25, $0x5;
	v12 =	vnsel vm0, $0x0, v9;
	[tilespmem:v17+s13+$0x0] =	vst.idx.msk $0xffff, v10  }
0x49: {  	s19 =	sadd.s32 $0x10, s19;
	s17 =	sadd.s32 $0x10, s17;
	s24 =	smul.u32 $0xA3E, s24;
	v9 =	vnsel vm0, $0x0, v11;
	[tilespmem:v18+s13+$0x0] =	vst.idx.msk $0xffff, v12  }
0x4a: {  	_ =	sdelay $0x3  }
0x4b: {  	[tilespmem:v8+s13+$0x0] =	vst.idx.msk $0xffff, v9  }
0x4c: {  	s23 =	sshrl.u32 s24, $0x10;
	v8 =	vld [tilespmem:s22+$0x0]  }
0x4d: {  	v9 =	vld [tilespmem:s22+$0xFFFFFFFE];
	s23 =	smul.u32 $0x320, s23;
	_ =	sdelay $0x1  }
0x4e: {  	s18 =	ssub.s32 s18, s23  }
0x4f: {  	s20 =	sand.u32 $0xFFFE, s20;
	v10 =	vld [tilespmem:s22+$0xFFFFFFFF];
	s18 =	sand.u32 $0xFFFF, s18  }
0x50: {  	s15 =	sadd.s32 $0x10, s15;
	s20 =	sshrl.u32 s20, $0x1;
	v11 =	vmov s18  }
0x51: {  	s16 =	sadd.s32 $0x10, s16;
	v13 =	vld [tilespmem:s15+$0x0];
	s30 =	smul.u32 $0x147B, s20;
	v12 =	vmax.f32 v9, v8;
	vm0 =	veq.s32 v11, v2  }
0x52: {  	s31 =	sadd.s32 $0x50, s21;
	v59 =	vld [tilespmem:s16+$0x0];
	s18 =	scvt.s32.f32 s18;
	vm1 =	veq.s32 v11, v0;
	v9 =	vsel vm0, v9, v12  }
0x53: {  	v60 =	vld [tilespmem:s19+$0x0];
	v61 =	vadd.s32 s31, v1;
	s15 =	sshrl.u32 s30, $0x11;
	v8 =	vsel vm1, v8, v9  }
0x54: {  	v15 =	vld [tilespmem:s17+$0x0];
	v16 =	vadd.s32 s31, v4;
	s15 =	sadd.s32 s15, s8;
	v14 =	vadd.f32 s18, v3;
	v8 =	vmax.f32 v8, v10  }
0x55: {  	s15 =	scvt.s32.f32 s15;
	vm15 =	veq.f32 v8, v10;
	v8 =	vadd.s32 s31, v5  }
0x56: {  	v17 =	vadd.s32 s31, v6;
	v13 =	vadd.f32 v13, v14;
	v10 =	vnsel vm15, $0x0, v10  }
0x57: {  	v18 =	vadd.s32 s31, v7;
	v11 =	vadd.f32 s15, v59;
	vm0 =	vgt.f32 v10, $1.000000010e-01  }
0x58: {  	v9 =	vadd.f32 v60, v14;
	[tilespmem:v61+s13+$0x0] =	vst.idx.msk $0xffff, v10;
	v13 =	vnsel vm0, $0x0, v13  }
0x59: {  	v63 =	vadd.f32 s15, v15;
	v62 =	vnsel vm0, $0x0, v11;
	[tilespmem:v16+s13+$0x0] =	vst.idx.msk $0xffff, v13  }
0x5a: {  	s14 =	sadd.s32 $0x1, s14;
	v9 =	vnsel vm0, $0x0, v9;
	[tilespmem:v8+s13+$0x0] =	vst.idx.msk $0xffff, v62  }
0x5b: {  	p0 =	sne.s32 s14, s10;
	v8 =	vnsel vm0, $0x0, v63;
	[tilespmem:v17+s13+$0x0] =	vst.idx.msk $0xffff, v9  }
.Ltmp1:
0x5c: {  	[tilespmem:v18+s13+$0x0] =	vst.idx.msk $0xffff, v8;
	(pc) =	sbr.rel @p0 .LBB2_1-.Ltmp1, $4  }
0x5d: {  	[hbm4b:s9+s2] =	stream.linear.scatter [tilespmem:s13], [sflag:$0x1], $0x9C40, $0x38;
	[tilespmem:$0x13A00] =	vst v63  }
0x5e: {  	_ =	swait.ge [sflag:s12], $0x9C40  }
0x5f: {  	[sflag:s12] =	ssyncset.done $0x0  }
0x60: {  	[sflag:s12] =	ssyncadd.s32 $0xFFFF63C0  }
0x61: {  	_ =	sfence.sel $0x180000  }
0x62: {  	[bflag:$0x0] =	sbarrier.arrive $0xFFFF  }
0x63: {  	p0 =	sne.s32 s0, $0x0;
	_ =	strace $0x90000047  }
0x64: {  	s0 =	sadd.s32 @!p0 $0x100000, s1;
	[bflag:$0x2] =	sbarrier.arrive $0xFFFF  }
0x65: {  	[sflag:s0] =	ssyncadd.tile.s32 @!p0 $0x1;
	_ =	shalt  }
.Lfunc_end2:
_tile_overlayer_lowered:
.L_overlay_start_2:
0x66: {  	(tag) =	ssettag $0x2  }
0x67: {  	s0 =	rddreg [dreg:$0x0];
	s2 =	stileid.u32  }
0x68: {  	s1 =	rddreg [dreg:$0x1];
	p0 =	sne.s32 s2, $0x0  }
0x69: {  	s3 =	rddreg [dreg:$0x2];
	[bflag:$0x3] =	sbarrier.arrive $0xFFFF;
	s2 =	simm.s32 @!p0 $0x1C01  }
0x6a: {  	[timem:s3], [sflag:s2] =	dma.local @!p0 [hbm:s0], s1  }
0x6b: {  	s0 =	simm.s32 @!p0 $0x1  }
0x6c: {  	_ =	swait.ge @!p0 [sflag:s0], s1  }
0x6d: {  	s1 =	ssub.s32 @!p0 $0x0, s1;
	[sflag:s0] =	ssyncset.done @!p0 $0x0  }
0x6e: {  	[sflag:s0] =	ssyncadd.s32 @!p0 s1  }
0x6f: {  	[bflag:$0x3] =	sbarrier.arrive $0xFFFF  }
0x70: {  	_ =	shalt  }

</sc_bundles>
